<compile_context>
chip_gen: v7x
topology: tpu7x:2x2x1
jax: 0.10.2.dev20260603
libtpu: 0.0.44.dev20260713+nightly
codegen_flags: <defaults>
</compile_context>

<pallas_src>
import functools

import jax
import jax.numpy as jnp
from jax import lax
from jax.experimental import pallas as pl
from jax.experimental.pallas import tpu as pltpu
from jax.experimental.pallas import tpu_sc as plsc

_T = 32768
_E = 64
_NC = 1
_NS = 16
_L = 16
_NW = _NC * _NS

_SCT = 4096
_TCT = _T - _SCT
_TPW = _SCT // _NW
_NG = _TPW // _L

_mesh = plsc.VectorSubcoreMesh(core_axis_name="c", subcore_axis_name="s", num_cores=1)


@functools.partial(
    pl.kernel,
    out_type=jax.ShapeDtypeStruct((_SCT,), jnp.int32),
    mesh=_mesh,
    compiler_params=pltpu.CompilerParams(
        needs_layout_passes=False,
        use_tc_tiling_on_sc=True,
    ),
    scratch_types=[
        pltpu.VMEM((_E, _TPW), jnp.float32),
        pltpu.VMEM((_TPW,), jnp.int32),
    ],
)
def _route_mask_sc(routet_hbm, r_hbm, buf, r_buf):
    wid = lax.axis_index("s") * _NC + lax.axis_index("c")
    tbase = wid * _TPW
    pltpu.sync_copy(routet_hbm.at[:, pl.ds(tbase, _TPW)], buf)

    @plsc.parallel_loop(0, _NG)
    def _grp(g):
        col = g * _L
        c0 = buf[0, pl.ds(col, _L)]

        def _echunk(eb, acc):
            eb8 = eb * 8
            for k in range(8):
                acc[k] = jnp.maximum(acc[k], buf[eb8 + k, pl.ds(col, _L)])
            return acc

        acc = lax.fori_loop(1, _E // 8,
                            _echunk, [buf[k, pl.ds(col, _L)]
                                      for k in range(8)])
        m = acc[0]
        for k in range(1, 8):
            m = jnp.maximum(m, acc[k])
        r_buf[pl.ds(col, _L)] = jnp.where(m > c0, 1, 0).astype(jnp.int32)

    pltpu.sync_copy(r_buf, r_hbm.at[pl.ds(tbase, _TPW)])


_TCB = 2048


def _route_mask_tc_body(x_ref, r_ref):
    x = x_ref[...]
    m = jnp.max(x, axis=0)
    r_ref[...] = jnp.where(m > x[0, :], 1, 0).astype(jnp.int32)


_route_mask_tc = pl.pallas_call(
    _route_mask_tc_body,
    grid=(_TCT // _TCB,),
    in_specs=[pl.BlockSpec((_E, _TCB), lambda j: (0, j + _SCT // _TCB))],
    out_specs=pl.BlockSpec((_TCB,), lambda j: (j,)),
    out_shape=jax.ShapeDtypeStruct((_TCT,), jnp.int32),
)


def kernel(route, skip_dim):
    routet = route.T
    r_sc = _route_mask_sc(routet)
    r_tc = _route_mask_tc(routet)
    r = jnp.concatenate([r_sc, r_tc])
    c = (skip_dim == 1).astype(jnp.int32)
    rx = r ^ c
    first = rx.astype(jnp.bool_)
    second = (1 - rx).astype(jnp.bool_)
    return (first, second)

# --- scband reference (transcript-rebuilt; emitter-appended) ---
"""Pipeline reference for scband-router-27384711479573 (READ-ONLY COPY).

The authoritative reference and input builder live on the scoring server;
editing this copy changes nothing except your own understanding.
"""

import jax, jax.numpy as jnp
import numpy as np


def setup_inputs(seed: int = 0) -> dict:
    key = jax.random.key(seed)
    k1, _ = jax.random.split(key)
    route = jax.random.normal(k1, (32768, 64), dtype=jnp.float32)
    return {"route": route, "skip_dim": 1}


def reference(route, skip_dim=1):
    # route.argmax(dim=-1).to(torch.bool): True iff argmax index != 0
    idx = jnp.argmax(route, axis=-1)
    r = idx.astype(jnp.bool_)  # nonzero index -> True, index 0 -> False
    r_neg = jnp.logical_not(r)
    cond = (skip_dim == 1)
    first = jnp.where(cond, r_neg, r)
    second = jnp.where(cond, r, r_neg)
    return (first, second)

if __name__ == "__main__":
    import jax
    _d = setup_inputs()
    print(jax.jit(kernel)(*tuple(_d.values())))

</pallas_src>

<mosaic_0001>
#map = affine_map<(d0, d1) -> (0, 0)>
#map1 = affine_map<(d0, d1) -> (0)>
module attributes {stable_mosaic.version = 14 : i64} {
  func.func @_route_mask_sc(%arg0: i32, %arg1: i32, %arg2: memref<64x32768xf32, #tpu.memory_space<hbm>>, %arg3: memref<4096xi32, #tpu.memory_space<hbm>>, %arg4: memref<64x256xf32, #tpu.memory_space<vmem>>, %arg5: memref<256xi32, #tpu.memory_space<vmem>>) attributes {dimension_semantics = [#tpu.dimension_semantics<core_parallel>, #tpu.dimension_semantics<subcore_parallel>], iteration_bounds = array<i64: 1, 16>, scalar_prefetch = 0 : i64, scratch_operands = 2 : i64, tpu.core_type = #tpu.core_type<sc_vector_subcore>, window_params = [{transform_indices = #map}, {transform_indices = #map1}]} {
    %mul3A = arith.constant 1 : i32
    %mul3A_0 = arith.muli %arg1, %mul3A : i32
    %add3A = arith.addi %mul3A_0, %arg0 : i32
    %mul3A_1 = arith.constant 256 : i32
    %mul3A_2 = arith.muli %add3A, %mul3A_1 : i32
    "tpu.region"() ({
      %run_scoped3A = tpu.sem_alloc : memref<!tpu.dma_semaphore, #tpu.memory_space<semaphore_mem>>
      %dma_start3A = arith.constant 0 : i32
      %dma_start3A_5 = tpu.memref_slice %arg2[%dma_start3A, %mul3A_2] : memref<64x32768xf32, #tpu.memory_space<hbm>> -> memref<64x256xf32, #tpu.memory_space<hbm>>
      %dma_start3A_6 = arith.constant 0 : i32
      %dma_start3A_7 = tpu.memref_slice %arg2[%dma_start3A_6, %mul3A_2] : memref<64x32768xf32, #tpu.memory_space<hbm>> -> memref<64x256xf32, #tpu.memory_space<hbm>>
      tpu.enqueue_dma source(%dma_start3A_7 : memref<64x256xf32, #tpu.memory_space<hbm>>) target(%arg4 : memref<64x256xf32, #tpu.memory_space<vmem>>) target_semaphore(%run_scoped3A : memref<!tpu.dma_semaphore, #tpu.memory_space<semaphore_mem>>)
      %dma_wait3A = arith.constant 0 : i32
      %dma_wait3A_8 = tpu.memref_slice %arg2[%dma_wait3A, %mul3A_2] : memref<64x32768xf32, #tpu.memory_space<hbm>> -> memref<64x256xf32, #tpu.memory_space<hbm>>
      %dma_wait3A_9 = arith.constant 0 : i32
      %dma_wait3A_10 = tpu.memref_slice %arg2[%dma_wait3A_9, %mul3A_2] : memref<64x32768xf32, #tpu.memory_space<hbm>> -> memref<64x256xf32, #tpu.memory_space<hbm>>
      tpu.wait_dma2 semaphore(%run_scoped3A : memref<!tpu.dma_semaphore, #tpu.memory_space<semaphore_mem>>) src(%dma_wait3A_10 : memref<64x256xf32, #tpu.memory_space<hbm>>) dst(%arg4 : memref<64x256xf32, #tpu.memory_space<vmem>>)
      tpu.yield
    }) : () -> ()
    %parallel_loop3A = arith.constant 0 : i32
    %parallel_loop3A_3 = arith.constant 16 : i32
    %parallel_loop3A_4 = arith.constant 1 : i32
    scf.for %parallel_loop3A_5 = %parallel_loop3A to %parallel_loop3A_3 step %parallel_loop3A_4  : i32 {
      %parallel_loop3A_6 = arith.constant 16 : i32
      %parallel_loop3A_7 = arith.muli %parallel_loop3A_5, %parallel_loop3A_6 : i32
      %parallel_loop3A_8 = arith.constant 0 : i32
      %parallel_loop3A_9 = arith.index_cast %parallel_loop3A_8 : i32 to index
      %parallel_loop3A_10 = arith.index_cast %parallel_loop3A_7 : i32 to index
      %parallel_loop3A_11 = tpu.vector_load %arg4[%parallel_loop3A_9, %parallel_loop3A_10] {strides = array<i32>} : memref<64x256xf32, #tpu.memory_space<vmem>>, vector<16xf32>,
      %parallel_loop3A_12 = arith.constant 0 : i32
      %parallel_loop3A_13 = arith.index_cast %parallel_loop3A_12 : i32 to index
      %parallel_loop3A_14 = arith.index_cast %parallel_loop3A_7 : i32 to index
      %parallel_loop3A_15 = tpu.vector_load %arg4[%parallel_loop3A_13, %parallel_loop3A_14] {strides = array<i32>} : memref<64x256xf32, #tpu.memory_space<vmem>>, vector<16xf32>,
      %parallel_loop3A_16 = arith.constant 1 : i32
      %parallel_loop3A_17 = arith.index_cast %parallel_loop3A_16 : i32 to index
      %parallel_loop3A_18 = arith.index_cast %parallel_loop3A_7 : i32 to index
      %parallel_loop3A_19 = tpu.vector_load %arg4[%parallel_loop3A_17, %parallel_loop3A_18] {strides = array<i32>} : memref<64x256xf32, #tpu.memory_space<vmem>>, vector<16xf32>,
      %parallel_loop3A_20 = arith.constant 2 : i32
      %parallel_loop3A_21 = arith.index_cast %parallel_loop3A_20 : i32 to index
      %parallel_loop3A_22 = arith.index_cast %parallel_loop3A_7 : i32 to index
      %parallel_loop3A_23 = tpu.vector_load %arg4[%parallel_loop3A_21, %parallel_loop3A_22] {strides = array<i32>} : memref<64x256xf32, #tpu.memory_space<vmem>>, vector<16xf32>,
      %parallel_loop3A_24 = arith.constant 3 : i32
      %parallel_loop3A_25 = arith.index_cast %parallel_loop3A_24 : i32 to index
      %parallel_loop3A_26 = arith.index_cast %parallel_loop3A_7 : i32 to index
      %parallel_loop3A_27 = tpu.vector_load %arg4[%parallel_loop3A_25, %parallel_loop3A_26] {strides = array<i32>} : memref<64x256xf32, #tpu.memory_space<vmem>>, vector<16xf32>,
      %parallel_loop3A_28 = arith.constant 4 : i32
      %parallel_loop3A_29 = arith.index_cast %parallel_loop3A_28 : i32 to index
      %parallel_loop3A_30 = arith.index_cast %parallel_loop3A_7 : i32 to index
      %parallel_loop3A_31 = tpu.vector_load %arg4[%parallel_loop3A_29, %parallel_loop3A_30] {strides = array<i32>} : memref<64x256xf32, #tpu.memory_space<vmem>>, vector<16xf32>,
      %parallel_loop3A_32 = arith.constant 5 : i32
      %parallel_loop3A_33 = arith.index_cast %parallel_loop3A_32 : i32 to index
      %parallel_loop3A_34 = arith.index_cast %parallel_loop3A_7 : i32 to index
      %parallel_loop3A_35 = tpu.vector_load %arg4[%parallel_loop3A_33, %parallel_loop3A_34] {strides = array<i32>} : memref<64x256xf32, #tpu.memory_space<vmem>>, vector<16xf32>,
      %parallel_loop3A_36 = arith.constant 6 : i32
      %parallel_loop3A_37 = arith.index_cast %parallel_loop3A_36 : i32 to index
      %parallel_loop3A_38 = arith.index_cast %parallel_loop3A_7 : i32 to index
      %parallel_loop3A_39 = tpu.vector_load %arg4[%parallel_loop3A_37, %parallel_loop3A_38] {strides = array<i32>} : memref<64x256xf32, #tpu.memory_space<vmem>>, vector<16xf32>,
      %parallel_loop3A_40 = arith.constant 7 : i32
      %parallel_loop3A_41 = arith.index_cast %parallel_loop3A_40 : i32 to index
      %parallel_loop3A_42 = arith.index_cast %parallel_loop3A_7 : i32 to index
      %parallel_loop3A_43 = tpu.vector_load %arg4[%parallel_loop3A_41, %parallel_loop3A_42] {strides = array<i32>} : memref<64x256xf32, #tpu.memory_space<vmem>>, vector<16xf32>,
      %parallel_loop3A_44 = arith.constant 1 : i32
      %parallel_loop3A_45 = arith.constant 7 : i32
      %parallel_loop3A_46 = arith.addi %parallel_loop3A_44, %parallel_loop3A_45 : i32
      %parallel_loop3A_47 = arith.constant 1 : i32
      %parallel_loop3A_48:8 = scf.for %scan3A = %parallel_loop3A_44 to %parallel_loop3A_46 step %parallel_loop3A_47 iter_args(%scan3A_65 = %parallel_loop3A_15, %scan3A_66 = %parallel_loop3A_19, %scan3A_67 = %parallel_loop3A_23, %scan3A_68 = %parallel_loop3A_27, %scan3A_69 = %parallel_loop3A_31, %scan3A_70 = %parallel_loop3A_35, %scan3A_71 = %parallel_loop3A_39, %scan3A_72 = %parallel_loop3A_43) -> (vector<16xf32>, vector<16xf32>, vector<16xf32>, vector<16xf32>, vector<16xf32>, vector<16xf32>, vector<16xf32>, vector<16xf32>)  : i32 {
        %parallel_loop3A_73 = arith.constant 8 : i32
        %parallel_loop3A_74 = arith.muli %scan3A, %parallel_loop3A_73 : i32
        %parallel_loop3A_75 = arith.constant 0 : i32
        %parallel_loop3A_76 = arith.addi %parallel_loop3A_74, %parallel_loop3A_75 : i32
        %parallel_loop3A_77 = arith.index_cast %parallel_loop3A_76 : i32 to index
        %parallel_loop3A_78 = arith.index_cast %parallel_loop3A_7 : i32 to index
        %parallel_loop3A_79 = tpu.vector_load %arg4[%parallel_loop3A_77, %parallel_loop3A_78] {strides = array<i32>} : memref<64x256xf32, #tpu.memory_space<vmem>>, vector<16xf32>,
        %parallel_loop3A_80 = arith.maximumf %scan3A_65, %parallel_loop3A_79 : vector<16xf32>
        %parallel_loop3A_81 = arith.constant 1 : i32
        %parallel_loop3A_82 = arith.addi %parallel_loop3A_74, %parallel_loop3A_81 : i32
        %parallel_loop3A_83 = arith.index_cast %parallel_loop3A_82 : i32 to index
        %parallel_loop3A_84 = arith.index_cast %parallel_loop3A_7 : i32 to index
        %parallel_loop3A_85 = tpu.vector_load %arg4[%parallel_loop3A_83, %parallel_loop3A_84] {strides = array<i32>} : memref<64x256xf32, #tpu.memory_space<vmem>>, vector<16xf32>,
        %parallel_loop3A_86 = arith.maximumf %scan3A_66, %parallel_loop3A_85 : vector<16xf32>
        %parallel_loop3A_87 = arith.constant 2 : i32
        %parallel_loop3A_88 = arith.addi %parallel_loop3A_74, %parallel_loop3A_87 : i32
        %parallel_loop3A_89 = arith.index_cast %parallel_loop3A_88 : i32 to index
        %parallel_loop3A_90 = arith.index_cast %parallel_loop3A_7 : i32 to index
        %parallel_loop3A_91 = tpu.vector_load %arg4[%parallel_loop3A_89, %parallel_loop3A_90] {strides = array<i32>} : memref<64x256xf32, #tpu.memory_space<vmem>>, vector<16xf32>,
        %parallel_loop3A_92 = arith.maximumf %scan3A_67, %parallel_loop3A_91 : vector<16xf32>
        %parallel_loop3A_93 = arith.constant 3 : i32
        %parallel_loop3A_94 = arith.addi %parallel_loop3A_74, %parallel_loop3A_93 : i32
        %parallel_loop3A_95 = arith.index_cast %parallel_loop3A_94 : i32 to index
        %parallel_loop3A_96 = arith.index_cast %parallel_loop3A_7 : i32 to index
        %parallel_loop3A_97 = tpu.vector_load %arg4[%parallel_loop3A_95, %parallel_loop3A_96] {strides = array<i32>} : memref<64x256xf32, #tpu.memory_space<vmem>>, vector<16xf32>,
        %parallel_loop3A_98 = arith.maximumf %scan3A_68, %parallel_loop3A_97 : vector<16xf32>
        %parallel_loop3A_99 = arith.constant 4 : i32
        %parallel_loop3A_100 = arith.addi %parallel_loop3A_74, %parallel_loop3A_99 : i32
        %parallel_loop3A_101 = arith.index_cast %parallel_loop3A_100 : i32 to index
        %parallel_loop3A_102 = arith.index_cast %parallel_loop3A_7 : i32 to index
        %parallel_loop3A_103 = tpu.vector_load %arg4[%parallel_loop3A_101, %parallel_loop3A_102] {strides = array<i32>} : memref<64x256xf32, #tpu.memory_space<vmem>>, vector<16xf32>,
        %parallel_loop3A_104 = arith.maximumf %scan3A_69, %parallel_loop3A_103 : vector<16xf32>
        %parallel_loop3A_105 = arith.constant 5 : i32
        %parallel_loop3A_106 = arith.addi %parallel_loop3A_74, %parallel_loop3A_105 : i32
        %parallel_loop3A_107 = arith.index_cast %parallel_loop3A_106 : i32 to index
        %parallel_loop3A_108 = arith.index_cast %parallel_loop3A_7 : i32 to index
        %parallel_loop3A_109 = tpu.vector_load %arg4[%parallel_loop3A_107, %parallel_loop3A_108] {strides = array<i32>} : memref<64x256xf32, #tpu.memory_space<vmem>>, vector<16xf32>,
        %parallel_loop3A_110 = arith.maximumf %scan3A_70, %parallel_loop3A_109 : vector<16xf32>
        %parallel_loop3A_111 = arith.constant 6 : i32
        %parallel_loop3A_112 = arith.addi %parallel_loop3A_74, %parallel_loop3A_111 : i32
        %parallel_loop3A_113 = arith.index_cast %parallel_loop3A_112 : i32 to index
        %parallel_loop3A_114 = arith.index_cast %parallel_loop3A_7 : i32 to index
        %parallel_loop3A_115 = tpu.vector_load %arg4[%parallel_loop3A_113, %parallel_loop3A_114] {strides = array<i32>} : memref<64x256xf32, #tpu.memory_space<vmem>>, vector<16xf32>,
        %parallel_loop3A_116 = arith.maximumf %scan3A_71, %parallel_loop3A_115 : vector<16xf32>
        %parallel_loop3A_117 = arith.constant 7 : i32
        %parallel_loop3A_118 = arith.addi %parallel_loop3A_74, %parallel_loop3A_117 : i32
        %parallel_loop3A_119 = arith.index_cast %parallel_loop3A_118 : i32 to index
        %parallel_loop3A_120 = arith.index_cast %parallel_loop3A_7 : i32 to index
        %parallel_loop3A_121 = tpu.vector_load %arg4[%parallel_loop3A_119, %parallel_loop3A_120] {strides = array<i32>} : memref<64x256xf32, #tpu.memory_space<vmem>>, vector<16xf32>,
        %parallel_loop3A_122 = arith.maximumf %scan3A_72, %parallel_loop3A_121 : vector<16xf32>
        scf.yield %parallel_loop3A_80, %parallel_loop3A_86, %parallel_loop3A_92, %parallel_loop3A_98, %parallel_loop3A_104, %parallel_loop3A_110, %parallel_loop3A_116, %parallel_loop3A_122 : vector<16xf32>, vector<16xf32>, vector<16xf32>, vector<16xf32>, vector<16xf32>, vector<16xf32>, vector<16xf32>, vector<16xf32>
      }
      %parallel_loop3A_49 = arith.constant 7 : i32
      %parallel_loop3A_50 = arith.maximumf %parallel_loop3A_48#0, %parallel_loop3A_48#1 : vector<16xf32>
      %parallel_loop3A_51 = arith.maximumf %parallel_loop3A_50, %parallel_loop3A_48#2 : vector<16xf32>
      %parallel_loop3A_52 = arith.maximumf %parallel_loop3A_51, %parallel_loop3A_48#3 : vector<16xf32>
      %parallel_loop3A_53 = arith.maximumf %parallel_loop3A_52, %parallel_loop3A_48#4 : vector<16xf32>
      %parallel_loop3A_54 = arith.maximumf %parallel_loop3A_53, %parallel_loop3A_48#5 : vector<16xf32>
      %parallel_loop3A_55 = arith.maximumf %parallel_loop3A_54, %parallel_loop3A_48#6 : vector<16xf32>
      %parallel_loop3A_56 = arith.maximumf %parallel_loop3A_55, %parallel_loop3A_48#7 : vector<16xf32>
      %parallel_loop3A_57 = arith.cmpf ogt, %parallel_loop3A_56, %parallel_loop3A_11 : vector<16xf32>
      %parallel_loop3A_58 = arith.constant 1 : i32
      %parallel_loop3A_59 = arith.constant 0 : i32
      %parallel_loop3A_60 = vector.broadcast %parallel_loop3A_58 : i32 to vector<16xi32>
      %parallel_loop3A_61 = vector.broadcast %parallel_loop3A_59 : i32 to vector<16xi32>
      %parallel_loop3A_62 = arith.select %parallel_loop3A_57, %parallel_loop3A_60, %parallel_loop3A_61 : vector<16xi1>, vector<16xi32>
      %parallel_loop3A_63 = arith.index_cast %parallel_loop3A_7 : i32 to index
      %parallel_loop3A_64 = tpu.vector_load %arg5[%parallel_loop3A_63] {strides = array<i32>} : memref<256xi32, #tpu.memory_space<vmem>>, vector<16xi32>,
      tpu.vector_store %arg5[%parallel_loop3A_63], %parallel_loop3A_62 {strides = array<i32>} : memref<256xi32, #tpu.memory_space<vmem>>, vector<16xi32>,
    } {sc.loop_unroll_factor = 1 : i64, sc.parallel_access}
    "tpu.region"() ({
      %run_scoped3A = tpu.sem_alloc : memref<!tpu.dma_semaphore, #tpu.memory_space<semaphore_mem>>
      %dma_start3A = tpu.memref_slice %arg3[%mul3A_2] : memref<4096xi32, #tpu.memory_space<hbm>> -> memref<256xi32, #tpu.memory_space<hbm>>
      %dma_start3A_5 = tpu.memref_slice %arg3[%mul3A_2] : memref<4096xi32, #tpu.memory_space<hbm>> -> memref<256xi32, #tpu.memory_space<hbm>>
      tpu.enqueue_dma source(%arg5 : memref<256xi32, #tpu.memory_space<vmem>>) target(%dma_start3A_5 : memref<256xi32, #tpu.memory_space<hbm>>) target_semaphore(%run_scoped3A : memref<!tpu.dma_semaphore, #tpu.memory_space<semaphore_mem>>)
      %dma_wait3A = tpu.memref_slice %arg3[%mul3A_2] : memref<4096xi32, #tpu.memory_space<hbm>> -> memref<256xi32, #tpu.memory_space<hbm>>
      %dma_wait3A_6 = tpu.memref_slice %arg3[%mul3A_2] : memref<4096xi32, #tpu.memory_space<hbm>> -> memref<256xi32, #tpu.memory_space<hbm>>
      tpu.wait_dma2 semaphore(%run_scoped3A : memref<!tpu.dma_semaphore, #tpu.memory_space<semaphore_mem>>) src(%arg5 : memref<256xi32, #tpu.memory_space<vmem>>) dst(%dma_wait3A_6 : memref<256xi32, #tpu.memory_space<hbm>>)
      tpu.yield
    }) : () -> ()
    return
  }
}

module attributes {stable_mosaic.version = 14 : i64} {
  func.func @_route_mask_tc_body(%arg0: i32, %arg1: memref<64x2048xf32, #tpu.memory_space<vmem>>, %arg2: memref<2048xi32, #tpu.memory_space<vmem>>) attributes {dimension_semantics = [#tpu.dimension_semantics<arbitrary>], iteration_bounds = array<i64: 14>, scalar_prefetch = 0 : i64, scratch_operands = 0 : i64, tpu.core_type = #tpu.core_type<tc>, window_params = [{transform_indices = @transform_0, window_bounds = array<i64: 64, 2048>}, {transform_indices = @transform_1, window_bounds = array<i64: 2048>}]} {
    %get3A = arith.constant 0 : index
    %get3A_0 = arith.constant 0 : index
    %get3A_1 = vector.load %arg1[%get3A, %get3A_0] : memref<64x2048xf32, #tpu.memory_space<vmem>>, vector<64x2048xf32>
    %reduce_max3A = arith.constant dense<0xFF800000> : vector<2048xf32>
    %reduce_max3A_2 = vector.multi_reduction <maximumf>, %get3A_1, %reduce_max3A [0] : vector<64x2048xf32> to vector<2048xf32>
    %slice3A = vector.extract_strided_slice %get3A_1 {offsets = [0, 0], sizes = [1, 2048], strides = [1, 1]} : vector<64x2048xf32> to vector<1x2048xf32>
    %squeeze3A = vector.shape_cast %slice3A : vector<1x2048xf32> to vector<2048xf32>
    %gt3A = arith.cmpf ogt, %reduce_max3A_2, %squeeze3A : vector<2048xf32>
    %jit3A = arith.constant 1 : i32
    %jit3A_3 = arith.constant 0 : i32
    %broadcast_in_dim3A = vector.broadcast %jit3A : i32 to vector<2048xi32>
    %broadcast_in_dim3A_4 = vector.broadcast %jit3A_3 : i32 to vector<2048xi32>
    %select_n3A = arith.select %gt3A, %broadcast_in_dim3A, %broadcast_in_dim3A_4 : vector<2048xi1>, vector<2048xi32>
    %swap3A = arith.constant 0 : index
    %swap3A_5 = vector.load %arg2[%swap3A] : memref<2048xi32, #tpu.memory_space<vmem>>, vector<2048xi32>
    tpu.vector_store %arg2[%swap3A], %select_n3A {strides = array<i32>} : memref<2048xi32, #tpu.memory_space<vmem>>, vector<2048xi32>,
    return
  }
  func.func @transform_0(%arg0: i32) -> (i32, i32) {
    %add3A = arith.constant 2 : i32
    %add3A_0 = arith.addi %arg0, %add3A : i32
    %c0_i32 = arith.constant 0 : i32
    %c0_i32_1 = arith.constant 0 : i32
    return %c0_i32, %add3A_0 : i32, i32
  }
  func.func @transform_1(%arg0: i32) -> i32 {
    %c0_i32 = arith.constant 0 : i32
    return %arg0 : i32
  }
}

</mosaic_0001>

<sc_bundles>
// kernel: kernel.4.cloned.1.call-start
scs
__scs_entry_jumppad:
0x0: {  	(pc) =	sbr.rel $0x88, $3  }
0x1: {  	(tag) =	ssettag $0x0;
	lr =	simm.s32 $0x1  }
0x2: {  	[smem:$0x3F9F] =	sst lr;
	_ =	strace $0xD0000000  }
0x3: {  	_ = 	snop  }
0x4: {  	_ = 	snop  }
0x5: {  	_ = 	snop  }
0x6: {  	_ = 	snop  }
0x7: {  	_ = 	snop  }
__scs_overlays_trampoline_lowered:
0x8: {  	[smem:$0x3FAE] =	sst s0  }
0x9: {  	[smem:$0x3FAF] =	sst s1  }
0xa: {  	[smem:$0x3FB0] =	sst s2  }
0xb: {  	[smem:$0x3FB1] =	sst s3  }
0xc: {  	[smem:$0x3FB2] =	sst s4  }
0xd: {  	[smem:$0x3FB3] =	sst s5  }
0xe: {  	[smem:$0x3FB4] =	sst s6  }
0xf: {  	[smem:$0x3FB5] =	sst s7  }
0x10: {  	[smem:$0x3FB6] =	sst s8  }
0x11: {  	[smem:$0x3FB7] =	sst s9;
	s0 =	simm.s32 @!p0 $0x0  }
0x12: {  	s1 =	sld [smem:$0x3F9D];
	s0 =	simm.s32 @p0 $0x1  }
0x13: {  	[smem:$0x3FB8] =	sst s0;
	s0 =	simm.s32 @!p1 $0x0  }
0x14: {  	s2 =	sld [smem:$0x3F9C];
	s0 =	simm.s32 @p1 $0x1  }
0x15: {  	[smem:$0x3FB9] =	sst s0;
	s0 =	simm.s32 @!p2 $0x0  }
0x16: {  	s3 =	sld [smem:$0x3FDB];
	s0 =	simm.s32 @p2 $0x1  }
0x17: {  	s4 =	simm.s32 $0x1BF5;
	[smem:$0x3FBB] =	sst s0  }
0x18: {  	s0 =	sld [smem:$0x3F9E];
	_ =	swait.ge [sflag:s4], $0x0  }
0x19: {  	s7 =	sld [smem:$0x3F9F]  }
0x1a: {  	s8 =	sadd.s32 $0xFFFFE003, lr  }
0x1b: {  	s9 =	sadd.s32 $0xFFFFFEF7, lr;
	s5 =	simm.s32 $0xFFFFFFFF;
	p2 =	slt.u32 s8, $0xFFFFF086  }
0x1c: {  	p1 =	slt.u32 s9, $0xF7A;
	s5 =	simm.s32 @!p2 $0x0  }
0x1d: {  	s5 =	simm.s32 @p1 $0x1;
	p0 =	seq.s32 s7, s2  }
0x1e: {  	s7 =	smul.u32 @!p0 $0xF7A, s2;
	p2 =	seq.s32 @!p0 s5, $0x0  }
0x1f: {  	s9 =	smul.u32 $0xF7A, s1;
	s8 =	simm.s32 @!p0 $0x1BF5;
	p2 =	por !p2, p0  }
0x20: {  	[sflag:s8] =	ssyncset.s32 @!p0 $0xFFFFF086;
	s6 =	sadd.s32 @!p0 s3, s7;
	s7 =	simm.s32 @!p0 $0x108  }
0x21: {  	s3 =	sadd.s32 s3, s9;
	s6 =	sadd.s32 @!p0 $0x88, s6;
	s7 =	simm.s32 @p2 $0x1082  }
0x22: {  	[simem:s7], [sflag:s8] =	dma.local @!p0 [hbm:s6], $0xF7A  }
0x23: {  	s9 =	sor.u32 $0xD0000000, s2;
	s6 =	simm.s32 $0x108;
	_ =	swait.ge @!p0 [sflag:s8], $0x0  }
0x24: {  	s3 =	sadd.s32 $0x88, s3;
	s6 =	simm.s32 @!p1 $0x1082;
	[sflag:s4] =	ssyncset.s32 $0xFFFFF086  }
0x25: {  	[simem:s6], [sflag:s4] =	dma.local [hbm:s3], $0xF7A  }
0x26: {  	[smem:$0x3F9F] =	sst s1;
	(tag) =	ssettag s2;
	_ =	strace s9  }
0x27: {  	s1 =	sld [smem:$0x3FAF]  }
0x28: {  	s2 =	sld [smem:$0x3FB0]  }
0x29: {  	s4 =	sld [smem:$0x3FB2]  }
0x2a: {  	p0 =	seq.s32 s5, $0x0;
	s5 =	sld [smem:$0x3FB3]  }
0x2b: {  	s6 =	sld [smem:$0x3FB4]  }
0x2c: {  	s7 =	sld [smem:$0x3FB5]  }
0x2d: {  	s3 =	simm.s32 $0x108;
	s8 =	sld [smem:$0x3FB6]  }
0x2e: {  	s3 =	simm.s32 @!p0 $0x1082;
	s9 =	sld [smem:$0x3FB7]  }
0x2f: {  	lr =	sadd.s32 s0, s3;
	s0 =	sld [smem:$0x3FAE]  }
0x30: {  	s3 =	sld [smem:$0x3FB1]  }
0x31: {  	[smem:$0x3FBA] =	sst s10  }
0x32: {  	s10 =	sld [smem:$0x3FB8];
	_ =	sdelay $0x3  }
0x33: {  	p0 =	seq.s32 s10, $0x1;
	s10 =	sld [smem:$0x3FBA];
	_ =	sdelay $0x3  }
0x34: {  	[smem:$0x3FBA] =	sst s10  }
0x35: {  	s10 =	sld [smem:$0x3FB9];
	_ =	sdelay $0x3  }
0x36: {  	p1 =	seq.s32 s10, $0x1;
	s10 =	sld [smem:$0x3FBA];
	_ =	sdelay $0x3  }
0x37: {  	[smem:$0x3FBA] =	sst s10  }
0x38: {  	s10 =	sld [smem:$0x3FBB]  }
0x39: {  	_ = 	snop;
	(pc) =	sbr.ind lr, $3  }
0x3a: {  	_ = 	snop  }
0x3b: {  	_ = 	snop  }
0x3c: {  	p2 =	seq.s32 s10, $0x1;
	s10 =	sld [smem:$0x3FBA]  }
0x3d: {  	_ =	shalt  }
0x3e: {  	_ =	shalt  }
0x3f: {  	_ =	shalt  }
0x40: {  	_ =	shalt  }
0x41: {  	_ =	shalt  }
0x42: {  	_ =	shalt  }
0x43: {  	_ =	shalt  }
0x44: {  	_ =	shalt  }
0x45: {  	_ =	shalt  }
0x46: {  	_ =	shalt  }
0x47: {  	_ =	shalt  }
0x48: {  	_ =	shalt  }
0x49: {  	_ =	shalt  }
0x4a: {  	_ =	shalt  }
0x4b: {  	_ =	shalt  }
0x4c: {  	_ =	shalt  }
0x4d: {  	_ =	shalt  }
0x4e: {  	_ =	shalt  }
0x4f: {  	_ =	shalt  }
0x50: {  	_ =	shalt  }
0x51: {  	_ =	shalt  }
0x52: {  	_ =	shalt  }
0x53: {  	_ =	shalt  }
0x54: {  	_ =	shalt  }
0x55: {  	_ =	shalt  }
0x56: {  	_ =	shalt  }
0x57: {  	_ =	shalt  }
0x58: {  	_ =	shalt  }
0x59: {  	_ =	shalt  }
0x5a: {  	_ =	shalt  }
0x5b: {  	_ =	shalt  }
0x5c: {  	_ =	shalt  }
0x5d: {  	_ =	shalt  }
0x5e: {  	_ =	shalt  }
0x5f: {  	_ =	shalt  }
0x60: {  	_ =	shalt  }
0x61: {  	_ =	shalt  }
0x62: {  	_ =	shalt  }
0x63: {  	_ =	shalt  }
0x64: {  	_ =	shalt  }
0x65: {  	_ =	shalt  }
0x66: {  	_ =	shalt  }
0x67: {  	_ =	shalt  }
0x68: {  	_ =	shalt  }
0x69: {  	_ =	shalt  }
0x6a: {  	_ =	shalt  }
0x6b: {  	_ =	shalt  }
0x6c: {  	_ =	shalt  }
0x6d: {  	_ =	shalt  }
0x6e: {  	_ =	shalt  }
0x6f: {  	_ =	shalt  }
0x70: {  	_ =	shalt  }
0x71: {  	_ =	shalt  }
0x72: {  	_ =	shalt  }
0x73: {  	_ =	shalt  }
0x74: {  	_ =	shalt  }
0x75: {  	_ =	shalt  }
0x76: {  	_ =	shalt  }
0x77: {  	_ =	shalt  }
0x78: {  	_ =	shalt  }
0x79: {  	_ =	shalt  }
0x7a: {  	_ =	shalt  }
0x7b: {  	_ =	shalt  }
0x7c: {  	_ =	shalt  }
0x7d: {  	_ =	shalt  }
0x7e: {  	_ =	shalt  }
0x7f: {  	_ =	shalt  }
0x80: {  	_ =	shalt  }
0x81: {  	_ =	shalt  }
0x82: {  	_ =	shalt  }
0x83: {  	_ =	shalt  }
0x84: {  	_ =	shalt  }
0x85: {  	_ =	shalt  }
0x86: {  	_ =	shalt  }
0x87: {  	_ =	shalt  }
.Lfunc_end0:
.L_simem_size_0:
called_computation_lowered:
.L_overlay_start_0:
0x88: {  	s0 =	sld [smem:$0x3FD9]  }
0x89: {  	s1 =	sld [smem:$0x3FFE];
	_ =	sdelay $0x3  }
0x8a: {  	s0 =	sadd.s32 s1, s0  }
0x8b: {  	[smem:$0x3FC6] =	sst s0  }
0x8c: {  	_ = 	snop  }
0x8d: {  	s0 =	sld [smem:$0x3FC9];
	(tm) =	ssettm $0x1  }
0x8e: {  	s16 =	sld [smem:$0x3FFB];
	_ =	sdelay $0x3  }
0x8f: {  	_ =	strace s16  }
0x90: {  	s1 =	sld [smem:$0x3FFC];
	_ =	sdelay $0x3  }
0x91: {  	_ =	strace s1  }
0x92: {  	s1 =	sld [smem:$0x3FFD];
	_ =	sdelay $0x3  }
0x93: {  	_ =	strace s1  }
0x94: {  	_ =	strace $0x8FFFFFFF  }
0x95: {  	s17 =	sld [smem:$0x3FDB];
	_ =	sdelay $0x1  }
0x96: {  	s2 =	simm.s32 $_scs_section_size  }
0x97: {  	s3 =	simm.s32 $_size__tile_overlayer_lowered;
	s4 =	simm.s32 $_tile_overlayer_lowered  }
0x98: {  	s20 =	simm.s32 $0x1BFF;
	s19 =	sshll.u32 s4, $0x1;
	s1 =	sadd.s32 s2, s17  }
0x99: {  	s5 =	simm.s32 $0x0;
	s18 =	sshll.u32 s3, $0x1;
	s3 =	sadd.s32 s19, s1  }
0x9a: {  	[timem:s5], [sflag:s20] =	dma.local [hbm:s3], s18  }
0x9b: {  	_ =	swait.ge [sflag:s20], s18  }
0x9c: {  	s2 =	ssub.s32 $0x0, s18;
	[sflag:s20] =	ssyncset.done $0x0  }
0x9d: {  	[sflag:s20] =	ssyncadd.s32 s2;
	_ =	sdelay $0x1  }
0x9e: {  	s21 =	simm.s32 $0x1B8B  }
0x9f: {  	_ =	swait.ge [sflag:s21], $0x1  }
0xa0: {  	[sflag:s21] =	ssyncset.done $0x0  }
0xa1: {  	s23 =	simm.s32 $0x1B8E;
	s22 =	sld [smem:$0x3FFE];
	[sflag:s21] =	ssyncadd.s32 $0xFFFFFFFF  }
0xa2: {  	s24 =	simm.s32 $execute0_lowered;
	[smem:$0x3FD2] =	sst s23  }
0xa3: {  	s3 =	sshll.u32 s24, $0x1;
	_ =	strace $0x80000046;
	[dreg:$0x1] =	wrdreg $0xFFFFFFFF  }
0xa4: {  	s25 =	simm.s32 $_size_execute0_lowered;
	s1 =	sadd.s32 s1, s3;
	[dreg:$0x0] =	wrdreg $0x0  }
0xa5: {  	s3 =	sshll.u32 s25, $0x1;
	[dreg:$0x2] =	wrdreg s1  }
0xa6: {  	[dreg:$0x3] =	wrdreg s3  }
0xa7: {  	[dreg:$0x4] =	wrdreg $0xC0  }
0xa8: {  	_ =	task [dreg:s5], $0x5FFFF  }
0xa9: {  	[dreg:$0x1] =	wrdreg $0xFFFFFFFF  }
0xaa: {  	[dreg:$0x0] =	wrdreg $0x60  }
0xab: {  	[dreg:$0x2] =	wrdreg s0  }
0xac: {  	[dreg:$0x3] =	wrdreg s22  }
0xad: {  	[dreg:$0x4] =	wrdreg $0x9  }
0xae: {  	_ =	task.clear_ibuf [dreg:s5], $0x5FFFF;
	_ =	strace $0x90000046  }
0xaf: {  	s26 =	simm.s32 $0x9;
	_ =	strace $0x80000048  }
0xb0: {  	_ =	swait.ge [sflag:s26], $0x1  }
0xb1: {  	[sflag:s26] =	ssyncadd.s32 $0xFFFFFFFF  }
0xb2: {  	_ =	strace $0x90000048  }
0xb3: {  	_ =	sfence  }
0xb4: {  	s28 =	sld [smem:$0x0];
	_ =	sdelay $0x1  }
0xb5: {  	s29 =	srdreg.scid  }
0xb6: {  	s30 =	sshll.u32 s29, $0xD;
	s31 =	sshrl.u32 s29, $0x2  }
0xb7: {  	s2 =	sand.u32 $0x4000, s30;
	s1 =	sand.u32 $0x1, s29;
	s0 =	sadd.s32 s31, s28  }
0xb8: {  	s1 =	sor.u32 s2, s1;
	s0 =	sshll.u32 s0, $0x11  }
0xb9: {  	s0 =	sor.u32 s0, s1  }
0xba: {  	s0 =	sadd.s32 $0x8F2B, s0  }
0xbb: {  	[sflag:s0] =	ssyncadd.remote.s32 $0x1  }
0xbc: {  	_ =	sfence.sel $0xFFFF  }
0xbd: {  	[dreg:$0x0] =	wrdreg $0xFFFFFFFF;
	(pc) =	sbr.abs _section_cstart, $3  }
0xbe: {  	[dreg:$0x1] =	wrdreg $0xFFFFFFFF  }
0xbf: {  	_ =	task.clear_ibuf [dreg:s5], $0x2FFFF;
	_ =	strace $0x9FFFFFFF  }
0xc0: {  	(tm) =	ssettm $0x7FFFFFFF  }
0xc1: {  	_ =	shalt  }
tec
execute0_lowered:
.L_overlay_start_1:
0x0: {  	(tag) =	ssettag $0x1  }
0x1: {  	s2 =	rddreg [dreg:$0x0]  }
0x2: {  	s5 =	rddreg [dreg:$0x1]  }
0x3: {  	s0 =	rddreg [dreg:$0x2]  }
0x4: {  	s3 =	simm.s32 $0x0;
	s1 =	stileid.u32;
	s26 =	simm.s32 $0x800  }
0x5: {  	s6 =	simm.s32 $0x40000;
	[smem:$0x7FF] =	sst s3;
	s4 =	sshll.u32 s1, $0x8  }
0x6: {  	s28 =	simm.s32 $0x1;
	_ =	strace $0x80000047;
	s2 =	sadd.s32 s2, s4  }
0x7: {  	[tilespmem:s3], [sflag:$0x1] =	stream.strided.gather [hbm4b:s2+s26], $0x4000, s6, s26, $0x38;
	[tilespmem:$0x4100] =	vst v63  }
0x8: {  	_ =	swait.ge [sflag:s28], $0x4000  }
0x9: {  	s29 =	sand.u32 $0x70, s3;
	s3 =	sand.u32 $0x400, s3;
	[sflag:s28] =	ssyncset.done $0x0  }
0xa: {  	s4 =	sor.u32 s29, s3;
	[sflag:s28] =	ssyncadd.s32 $0xFFFFC000  }
0xb: {  	v0 =	vld [tilespmem:s4+$0x3380];
	_ =	sdelay $0x4  }
0xc: {  	[tilespmem:$0x1FFD0] =	vst v0  }
0xd: {  	v0 =	vld [tilespmem:s4+$0x2B80];
	_ =	sdelay $0x4  }
0xe: {  	[tilespmem:$0x1FEE0] =	vst v0  }
0xf: {  	v0 =	vld [tilespmem:s4+$0x3300];
	_ =	sdelay $0x4  }
0x10: {  	[tilespmem:$0x1FFB0] =	vst v0  }
0x11: {  	v0 =	vld [tilespmem:s4+$0x2380];
	_ =	sdelay $0x4  }
0x12: {  	[tilespmem:$0x1FEB0] =	vst v0  }
0x13: {  	v0 =	vld [tilespmem:s4+$0x2B00];
	_ =	sdelay $0x4  }
0x14: {  	[tilespmem:$0x1FF10] =	vst v0  }
0x15: {  	v0 =	vld [tilespmem:s4+$0x3280];
	_ =	sdelay $0x4  }
0x16: {  	[tilespmem:$0x1FF90] =	vst v0  }
0x17: {  	v0 =	vld [tilespmem:s4+$0x1B80];
	_ =	sdelay $0x4  }
0x18: {  	[tilespmem:$0x1FE80] =	vst v0  }
0x19: {  	v0 =	vld [tilespmem:s4+$0x2300];
	_ =	sdelay $0x4  }
0x1a: {  	[tilespmem:$0x1FEA0] =	vst v0  }
0x1b: {  	v0 =	vld [tilespmem:s4+$0x2A80];
	_ =	sdelay $0x4  }
0x1c: {  	[tilespmem:$0x1FF00] =	vst v0  }
0x1d: {  	v0 =	vld [tilespmem:s4+$0x3200];
	_ =	sdelay $0x4  }
0x1e: {  	[tilespmem:$0x1FF80] =	vst v0  }
0x1f: {  	v0 =	vld [tilespmem:s4+$0x1B00];
	_ =	sdelay $0x4  }
0x20: {  	v38 =	vld [tilespmem:s4+$0x1380];
	[tilespmem:$0x1FE70] =	vst v0  }
0x21: {  	v0 =	vld [tilespmem:s4+$0x2280];
	_ =	sdelay $0x4  }
0x22: {  	[tilespmem:$0x1FE90] =	vst v0  }
0x23: {  	v0 =	vld [tilespmem:s4+$0x2A00];
	_ =	sdelay $0x4  }
0x24: {  	[tilespmem:$0x1FEF0] =	vst v0  }
0x25: {  	v0 =	vld [tilespmem:s4+$0x3180];
	_ =	sdelay $0x4  }
0x26: {  	[tilespmem:$0x1FF70] =	vst v0  }
0x27: {  	v0 =	vld [tilespmem:s4+$0x2200];
	_ =	sdelay $0x1  }
0x28: {  	v33 =	vld [tilespmem:s4+$0x380]  }
0x29: {  	v23 =	vld [tilespmem:s4+$0xB80]  }
0x2a: {  	v43 =	vld [tilespmem:s4+$0x1300]  }
0x2b: {  	v51 =	vld [tilespmem:s4+$0x1A80];
	[tilespmem:$0x1FED0] =	vst v0  }
0x2c: {  	v0 =	vld [tilespmem:s4+$0x2980];
	_ =	sdelay $0x4  }
0x2d: {  	[tilespmem:$0x1FF20] =	vst v0  }
0x2e: {  	v0 =	vld [tilespmem:s4+$0x3100];
	_ =	sdelay $0x4  }
0x2f: {  	[tilespmem:$0x1FF50] =	vst v0  }
0x30: {  	v0 =	vld [tilespmem:s4+$0x3800];
	_ =	sdelay $0x4  }
0x31: {  	[tilespmem:$0x1FF60] =	vst v0  }
0x32: {  	v0 =	vld [tilespmem:s4+$0x2180];
	_ =	sdelay $0x1  }
0x33: {  	v26 =	vld [tilespmem:s4+$0x300]  }
0x34: {  	v27 =	vld [tilespmem:s4+$0xB00]  }
0x35: {  	v47 =	vld [tilespmem:s4+$0x1280]  }
0x36: {  	v48 =	vld [tilespmem:s4+$0x1A00];
	[tilespmem:$0x1FEC0] =	vst v0  }
0x37: {  	v0 =	vld [tilespmem:s4+$0x2900];
	_ =	sdelay $0x4  }
0x38: {  	[tilespmem:$0x1FF30] =	vst v0  }
0x39: {  	v0 =	vld [tilespmem:s4+$0x3000];
	_ =	sdelay $0x4  }
0x3a: {  	[tilespmem:$0x1FF40] =	vst v0  }
0x3b: {  	v52 =	vld [tilespmem:s4+$0x280]  }
0x3c: {  	v53 =	vld [tilespmem:s4+$0xA80]  }
0x3d: {  	v54 =	vld [tilespmem:s4+$0x1200]  }
0x3e: {  	v55 =	vld [tilespmem:s4+$0x1980]  }
0x3f: {  	v56 =	vld [tilespmem:s4+$0x200]  }
0x40: {  	v57 =	vld [tilespmem:s4+$0xA00]  }
0x41: {  	v58 =	vld [tilespmem:s4+$0x1180]  }
0x42: {  	v59 =	vld [tilespmem:s4+$0x1900]  }
0x43: {  	v60 =	vld [tilespmem:s4+$0x180]  }
0x44: {  	v61 =	vld [tilespmem:s4+$0x980]  }
0x45: {  	v62 =	vld [tilespmem:s4+$0x100]  }
0x46: {  	v63 =	vld [tilespmem:s4+$0x900]  }
0x47: {  	v39 =	vld [tilespmem:s4+$0x0]  }
0x48: {  	v18 =	vld [tilespmem:s4+$0x80]  }
0x49: {  	v21 =	vld [tilespmem:s4+$0x800]  }
0x4a: {  	v9 =	vld [tilespmem:s4+$0x880]  }
0x4b: {  	v28 =	vld [tilespmem:s4+$0x1100]  }
0x4c: {  	v19 =	vld [tilespmem:s4+$0x1000]  }
0x4d: {  	v29 =	vld [tilespmem:s4+$0x1080]  }
0x4e: {  	v30 =	vld [tilespmem:s4+$0x1800]  }
0x4f: {  	v31 =	vld [tilespmem:s4+$0x1880]  }
0x50: {  	v32 =	vld [tilespmem:s4+$0x2100]  }
0x51: {  	v34 =	vld [tilespmem:s4+$0x2000]  }
0x52: {  	v35 =	vld [tilespmem:s4+$0x2080]  }
0x53: {  	v36 =	vld [tilespmem:s4+$0x2800]  }
0x54: {  	v37 =	vld [tilespmem:s4+$0x2880]  }
0x55: {  	v40 =	vld [tilespmem:s4+$0x3080]  }
0x56: {  	v44 =	vld [tilespmem:s4+$0x3880]  }
0x57: {  	v0 =	vld [tilespmem:s4+$0x3A00]  }
0x58: {  	v45 =	vld [tilespmem:s4+$0x3900]  }
0x59: {  	v46 =	vld [tilespmem:s4+$0x3980]  }
0x5a: {  	v56 =	vmax.f32 v56, v57;
	v57 =	vld [tilespmem:$0x1FEE0]  }
0x5b: {  	v60 =	vmax.f32 v60, v61;
	v61 =	vld [tilespmem:$0x1FF10]  }
0x5c: {  	v23 =	vmax.f32 v33, v23;
	[tilespmem:$0x1FFA0] =	vst v0;
	v33 =	vmax.f32 v62, v63;
	v62 =	vld [tilespmem:$0x1FF20]  }
0x5d: {  	v9 =	vmax.f32 v18, v9;
	v0 =	vld [tilespmem:s4+$0x3A80]  }
0x5e: {  	v52 =	vmax.f32 v52, v53;
	v53 =	vmax.f32 v26, v27;
	v9 =	vmax.f32 v9, v29;
	v29 =	vld [tilespmem:$0x1FE70]  }
0x5f: {  	v43 =	vmax.f32 v53, v43;
	v53 =	vld [tilespmem:$0x1FE80]  }
0x60: {  	v54 =	vmax.f32 v56, v54;
	v56 =	vld [tilespmem:$0x1FED0]  }
0x61: {  	v21 =	vmax.f32 v39, v21;
	v63 =	vmax.f32 v60, v58;
	v58 =	vld [tilespmem:$0x1FEF0]  }
0x62: {  	v21 =	vmax.f32 v21, v19;
	v60 =	vld [tilespmem:$0x1FF00]  }
0x63: {  	v21 =	vmax.f32 v21, v30;
	v30 =	vld [tilespmem:$0x1FE90]  }
0x64: {  	v28 =	vmax.f32 v33, v28;
	v33 =	vmax.f32 v63, v55;
	v55 =	vld [tilespmem:$0x1FEC0]  }
0x65: {  	v38 =	vmax.f32 v23, v38;
	v63 =	vld [tilespmem:$0x1FF30]  }
0x66: {  	v47 =	vmax.f32 v52, v47;
	[tilespmem:$0x1FFC0] =	vst v0;
	v29 =	vmax.f32 v43, v29;
	v43 =	vmax.f32 v38, v53;
	v53 =	vld [tilespmem:$0x1FF40]  }
0x67: {  	v47 =	vmax.f32 v47, v51;
	v0 =	vld [tilespmem:s4+$0x3B00]  }
0x68: {  	v9 =	vmax.f32 v9, v31;
	v28 =	vmax.f32 v28, v59;
	v31 =	vmax.f32 v47, v30;
	v30 =	vld [tilespmem:$0x1FEA0]  }
0x69: {  	v28 =	vmax.f32 v28, v32;
	v32 =	vmax.f32 v33, v55;
	v55 =	vld [tilespmem:$0x1FF60]  }
0x6a: {  	v48 =	vmax.f32 v54, v48;
	v54 =	vld [tilespmem:$0x1FF50]  }
0x6b: {  	v21 =	vmax.f32 v21, v34;
	v9 =	vmax.f32 v9, v35;
	v31 =	vmax.f32 v31, v60;
	v60 =	vld [tilespmem:$0x1FFB0]  }
0x6c: {  	v21 =	vmax.f32 v21, v36;
	v9 =	vmax.f32 v9, v37;
	v32 =	vmax.f32 v32, v62;
	v62 =	vld [tilespmem:$0x1FFD0]  }
0x6d: {  	v9 =	vmax.f32 v9, v40;
	v21 =	vmax.f32 v21, v53;
	[tilespmem:$0x1FFE0] =	vst v0;
	v29 =	vmax.f32 v29, v30;
	v30 =	vld [tilespmem:$0x1FEB0]  }
0x6e: {  	v9 =	vmax.f32 v9, v44;
	v21 =	vmax.f32 v21, v55;
	v0 =	vld [tilespmem:s4+$0x3B80]  }
0x6f: {  	v28 =	vmax.f32 v28, v63;
	v9 =	vmax.f32 v21, v9;
	v21 =	vld [tilespmem:$0x1FF80]  }
0x70: {  	v28 =	vmax.f32 v28, v54;
	v29 =	vmax.f32 v29, v61;
	v61 =	vld [tilespmem:$0x1FFC0]  }
0x71: {  	s30 =	simm.s32 $0x10;
	s3 =	simm.s32 $0x80;
	v28 =	vmax.f32 v28, v45;
	v63 =	vld [tilespmem:$0x1FFE0]  }
0x72: {  	s2 =	sand.u32 $0x70, s30;
	s31 =	sand.u32 $0x400, s3;
	v9 =	vmax.f32 v9, v28;
	v28 =	vld [tilespmem:$0x1FF90];
	v43 =	vmax.f32 v43, v30  }
0x73: {  	s2 =	sor.u32 s2, s31;
	[tilespmem:$0x1FFF0] =	vst v0;
	v35 =	vmax.f32 v43, v57;
	v57 =	vld [tilespmem:$0x1FF70]  }
0x74: {  	v1 =	vld [tilespmem:s2+$0x3380]  }
0x75: {  	v4 =	vld [tilespmem:s2+$0x2B80]  }
0x76: {  	v0 =	vld [tilespmem:s2+$0x3300]  }
0x77: {  	v7 =	vld [tilespmem:s2+$0x2380]  }
0x78: {  	v5 =	vld [tilespmem:s2+$0x2B00]  }
0x79: {  	v2 =	vld [tilespmem:s2+$0x3280]  }
0x7a: {  	v16 =	vld [tilespmem:s2+$0x1B80]  }
0x7b: {  	v13 =	vld [tilespmem:s2+$0x2300]  }
0x7c: {  	v8 =	vld [tilespmem:s2+$0x2A80]  }
0x7d: {  	v3 =	vld [tilespmem:s2+$0x3200]  }
0x7e: {  	v24 =	vld [tilespmem:s2+$0x1380]  }
0x7f: {  	v20 =	vld [tilespmem:s2+$0x1B00]  }
0x80: {  	v15 =	vld [tilespmem:s2+$0x2280]  }
0x81: {  	v12 =	vld [tilespmem:s2+$0x2A00]  }
0x82: {  	v6 =	vld [tilespmem:s2+$0x3180]  }
0x83: {  	v50 =	vld [tilespmem:s2+$0x380]  }
0x84: {  	v49 =	vld [tilespmem:s2+$0xB80]  }
0x85: {  	v25 =	vld [tilespmem:s2+$0x1300]  }
0x86: {  	v22 =	vld [tilespmem:s2+$0x1A80]  }
0x87: {  	v17 =	vld [tilespmem:s2+$0x2200]  }
0x88: {  	v14 =	vld [tilespmem:s2+$0x2980]  }
0x89: {  	v10 =	vld [tilespmem:s2+$0x3100]  }
0x8a: {  	v11 =	vld [tilespmem:s2+$0x3800]  }
0x8b: {  	v42 =	vld [tilespmem:s2+$0x300]  }
0x8c: {  	v41 =	vld [tilespmem:s2+$0xB00]  }
0x8d: {  	v27 =	vld [tilespmem:s2+$0x1280]  }
0x8e: {  	v26 =	vld [tilespmem:s2+$0x1A00]  }
0x8f: {  	v23 =	vld [tilespmem:s2+$0x2180]  }
0x90: {  	v18 =	vld [tilespmem:s2+$0x2900]  }
0x91: {  	v19 =	vld [tilespmem:s2+$0x3000]  }
0x92: {  	v52 =	vld [tilespmem:s2+$0x280]  }
0x93: {  	v51 =	vld [tilespmem:s2+$0xA80]  }
0x94: {  	v38 =	vld [tilespmem:s2+$0x1200]  }
0x95: {  	v30 =	vld [tilespmem:s2+$0x1980]  }
0x96: {  	v47 =	vld [tilespmem:s2+$0x200]  }
0x97: {  	v28 =	vmax.f32 v31, v28;
	v31 =	vld [tilespmem:$0x1FFA0]  }
0x98: {  	v33 =	vmax.f32 v48, v56;
	v48 =	vld [tilespmem:s2+$0xA00]  }
0x99: {  	v34 =	vld [tilespmem:s2+$0x1180]  }
0x9a: {  	v59 =	vmax.f32 v33, v58;
	v33 =	vld [tilespmem:s2+$0x1900];
	v32 =	vmax.f32 v32, v57  }
0x9b: {  	v21 =	vmax.f32 v59, v21;
	v53 =	vld [tilespmem:s2+$0x180];
	v32 =	vmax.f32 v32, v46  }
0x9c: {  	v56 =	vld [tilespmem:s2+$0x980];
	v31 =	vmax.f32 v21, v31;
	v9 =	vmax.f32 v9, v32  }
0x9d: {  	v58 =	vld [tilespmem:s2+$0x100];
	v28 =	vmax.f32 v28, v61;
	v9 =	vmax.f32 v9, v31  }
0x9e: {  	v9 =	vmax.f32 v9, v28;
	v28 =	vld [tilespmem:$0x1FFF0]  }
0x9f: {  	v59 =	vld [tilespmem:s2+$0x900]  }
0xa0: {  	v36 =	vld [tilespmem:s2+$0x800]  }
0xa1: {  	v29 =	vmax.f32 v29, v60;
	v37 =	vld [tilespmem:s2+$0x880]  }
0xa2: {  	v29 =	vmax.f32 v29, v63;
	v21 =	vld [tilespmem:s2+$0x0];
	v32 =	vmax.f32 v35, v62  }
0xa3: {  	v31 =	vld [tilespmem:s2+$0x80];
	v9 =	vmax.f32 v9, v29;
	v28 =	vmax.f32 v32, v28  }
0xa4: {  	v32 =	vld [tilespmem:s2+$0x1000];
	v9 =	vmax.f32 v9, v28  }
0xa5: {  	v40 =	vmax.f32 v42, v41;
	v28 =	vld [tilespmem:s2+$0x1100];
	vm0 =	vgt.f32 v9, v39;
	v9 =	vimm.s32 $0x0  }
0xa6: {  	s4 =	simm.s32 $0x4000;
	v43 =	vmax.f32 v50, v49;
	v41 =	vmax.f32 v58, v59;
	v35 =	vld [tilespmem:s2+$0x1080];
	v29 =	vsel vm0, $0x1, v9  }
0xa7: {  	s5 =	sadd.s32 $0x800, s5;
	s6 =	simm.s32 $0x20;
	v42 =	vmax.f32 v53, v56;
	v44 =	vmax.f32 v47, v48;
	v39 =	vmax.f32 v52, v51;
	[tilespmem:s4+$0x0] =	vst v29;
	v29 =	vld [tilespmem:s2+$0x1800]  }
.LBB2_1:
0xa8: {  	p0 =	sne.s32 s6, $0xF0;
	v36 =	vmax.f32 v21, v36;
	v31 =	vmax.f32 v31, v37;
	v24 =	vmax.f32 v43, v24;
	v37 =	vld [tilespmem:s2+$0x1880]  }
0xa9: {  	v38 =	vmax.f32 v44, v38;
	v27 =	vmax.f32 v39, v27;
	v25 =	vmax.f32 v40, v25;
	v39 =	vld [tilespmem:s2+$0x2100]  }
0xaa: {  	v34 =	vmax.f32 v42, v34;
	v28 =	vmax.f32 v41, v28;
	v32 =	vmax.f32 v36, v32;
	v36 =	vld [tilespmem:s2+$0x2000]  }
0xab: {  	v20 =	vmax.f32 v25, v20;
	v16 =	vmax.f32 v24, v16;
	v31 =	vmax.f32 v31, v35;
	v24 =	vld [tilespmem:s2+$0x2080]  }
0xac: {  	v25 =	vmax.f32 v34, v30;
	v26 =	vmax.f32 v38, v26;
	v22 =	vmax.f32 v27, v22;
	v27 =	vld [tilespmem:s2+$0x2800]  }
0xad: {  	v28 =	vmax.f32 v28, v33;
	v29 =	vmax.f32 v32, v29;
	v30 =	vmax.f32 v31, v37;
	v31 =	vld [tilespmem:s2+$0x2880]  }
0xae: {  	v15 =	vmax.f32 v22, v15;
	v13 =	vmax.f32 v20, v13;
	v7 =	vmax.f32 v16, v7;
	v16 =	vld [tilespmem:s2+$0x3080]  }
0xaf: {  	v22 =	vmax.f32 v25, v23;
	v17 =	vmax.f32 v26, v17;
	v20 =	vmax.f32 v28, v39;
	v23 =	vld [tilespmem:s2+$0x3880]  }
0xb0: {  	v26 =	vmax.f32 v7, v4;
	v25 =	vmax.f32 v29, v36;
	v24 =	vmax.f32 v30, v24;
	v4 =	vld [tilespmem:s2+$0x3900]  }
0xb1: {  	v7 =	vmax.f32 v17, v12;
	v8 =	vmax.f32 v15, v8;
	v5 =	vmax.f32 v13, v5;
	v12 =	vld [tilespmem:s2+$0x3980]  }
0xb2: {  	v14 =	vmax.f32 v22, v14;
	v13 =	vmax.f32 v25, v27;
	v15 =	vmax.f32 v24, v31;
	v17 =	vld [tilespmem:s2+$0x3A00]  }
0xb3: {  	s3 =	sadd.s32 $0x80, s3;
	v18 =	vmax.f32 v20, v18;
	v13 =	vmax.f32 v13, v19;
	v15 =	vmax.f32 v15, v16;
	v16 =	vld [tilespmem:s2+$0x3A80]  }
0xb4: {  	s7 =	sand.u32 $0x70, s6;
	s8 =	sand.u32 $0x400, s3;
	v10 =	vmax.f32 v18, v10;
	v11 =	vmax.f32 v13, v11;
	v13 =	vmax.f32 v15, v23;
	v15 =	vld [tilespmem:s2+$0x3B00]  }
0xb5: {  	v6 =	vmax.f32 v14, v6;
	v4 =	vmax.f32 v10, v4;
	v10 =	vld [tilespmem:s2+$0x3B80];
	s2 =	sor.u32 s7, s8;
	v11 =	vmax.f32 v11, v13  }
0xb6: {  	v3 =	vmax.f32 v7, v3;
	v13 =	vld [tilespmem:s2+$0x3380];
	v6 =	vmax.f32 v6, v12;
	v7 =	vmax.f32 v11, v4  }
0xb7: {  	v2 =	vmax.f32 v8, v2;
	v4 =	vld [tilespmem:s2+$0x2B80];
	v3 =	vmax.f32 v3, v17;
	v6 =	vmax.f32 v7, v6  }
0xb8: {  	v5 =	vmax.f32 v5, v0;
	v0 =	vld [tilespmem:s2+$0x3300];
	v2 =	vmax.f32 v2, v16;
	v3 =	vmax.f32 v6, v3  }
0xb9: {  	v11 =	vmax.f32 v26, v1;
	v7 =	vld [tilespmem:s2+$0x2380];
	v6 =	vmax.f32 v5, v15;
	v2 =	vmax.f32 v3, v2  }
0xba: {  	v5 =	vld [tilespmem:s2+$0x2B00];
	v8 =	vmax.f32 v11, v10;
	v3 =	vmax.f32 v2, v6  }
0xbb: {  	v2 =	vld [tilespmem:s2+$0x3280];
	v3 =	vmax.f32 v3, v8;
	v1 =	vmov v13  }
0xbc: {  	v16 =	vld [tilespmem:s2+$0x1B80];
	vm0 =	vgt.f32 v3, v21  }
0xbd: {  	s4 =	sadd.s32 $0x10, s4;
	v13 =	vld [tilespmem:s2+$0x2300];
	v3 =	vsel vm0, $0x1, v9  }
0xbe: {  	v8 =	vld [tilespmem:s2+$0x2A80];
	[tilespmem:s4+$0x0] =	vst v3  }
0xbf: {  	v3 =	vld [tilespmem:s2+$0x3200]  }
0xc0: {  	v24 =	vld [tilespmem:s2+$0x1380]  }
0xc1: {  	v20 =	vld [tilespmem:s2+$0x1B00]  }
0xc2: {  	v15 =	vld [tilespmem:s2+$0x2280]  }
0xc3: {  	v12 =	vld [tilespmem:s2+$0x2A00]  }
0xc4: {  	v6 =	vld [tilespmem:s2+$0x3180]  }
0xc5: {  	v29 =	vld [tilespmem:s2+$0x380]  }
0xc6: {  	v35 =	vld [tilespmem:s2+$0xB80]  }
0xc7: {  	v25 =	vld [tilespmem:s2+$0x1300]  }
0xc8: {  	v22 =	vld [tilespmem:s2+$0x1A80]  }
0xc9: {  	v17 =	vld [tilespmem:s2+$0x2200]  }
0xca: {  	v14 =	vld [tilespmem:s2+$0x2980]  }
0xcb: {  	v10 =	vld [tilespmem:s2+$0x3100]  }
0xcc: {  	v11 =	vld [tilespmem:s2+$0x3800]  }
0xcd: {  	v40 =	vld [tilespmem:s2+$0x300]  }
0xce: {  	v41 =	vld [tilespmem:s2+$0xB00]  }
0xcf: {  	v27 =	vld [tilespmem:s2+$0x1280]  }
0xd0: {  	v26 =	vld [tilespmem:s2+$0x1A00]  }
0xd1: {  	v23 =	vld [tilespmem:s2+$0x2180]  }
0xd2: {  	v18 =	vld [tilespmem:s2+$0x2900]  }
0xd3: {  	v19 =	vld [tilespmem:s2+$0x3000]  }
0xd4: {  	v39 =	vld [tilespmem:s2+$0x280]  }
0xd5: {  	v42 =	vld [tilespmem:s2+$0xA80]  }
0xd6: {  	v38 =	vld [tilespmem:s2+$0x1200]  }
0xd7: {  	v30 =	vld [tilespmem:s2+$0x1980]  }
0xd8: {  	v44 =	vld [tilespmem:s2+$0x200]  }
0xd9: {  	v45 =	vld [tilespmem:s2+$0xA00]  }
0xda: {  	v34 =	vld [tilespmem:s2+$0x1180]  }
0xdb: {  	v33 =	vld [tilespmem:s2+$0x1900]  }
0xdc: {  	v46 =	vld [tilespmem:s2+$0x180]  }
0xdd: {  	v47 =	vld [tilespmem:s2+$0x980]  }
0xde: {  	v48 =	vld [tilespmem:s2+$0x100]  }
0xdf: {  	v49 =	vld [tilespmem:s2+$0x900]  }
0xe0: {  	v21 =	vld [tilespmem:s2+$0x0]  }
0xe1: {  	v31 =	vld [tilespmem:s2+$0x80]  }
0xe2: {  	v36 =	vld [tilespmem:s2+$0x800]  }
.Ltmp0:
0xe3: {  	v37 =	vld [tilespmem:s2+$0x880];
	(pc) =	sbr.rel @p0 .LBB2_1-.Ltmp0, $4  }
0xe4: {  	v28 =	vld [tilespmem:s2+$0x1100]  }
0xe5: {  	v32 =	vld [tilespmem:s2+$0x1000]  }
0xe6: {  	v43 =	vmax.f32 v29, v35;
	v40 =	vmax.f32 v40, v41;
	v39 =	vmax.f32 v39, v42;
	v35 =	vld [tilespmem:s2+$0x1080]  }
0xe7: {  	s6 =	sadd.s32 $0x10, s6;
	v44 =	vmax.f32 v44, v45;
	v42 =	vmax.f32 v46, v47;
	v41 =	vmax.f32 v48, v49;
	v29 =	vld [tilespmem:s2+$0x1800]  }
0xe8: {  	v36 =	vmax.f32 v21, v36;
	v31 =	vmax.f32 v31, v37;
	v24 =	vmax.f32 v43, v24;
	v63 =	vld [tilespmem:s2+$0x1880]  }
0xe9: {  	v38 =	vmax.f32 v44, v38;
	v27 =	vmax.f32 v39, v27;
	v25 =	vmax.f32 v40, v25;
	v43 =	vld [tilespmem:s2+$0x2100]  }
0xea: {  	v34 =	vmax.f32 v42, v34;
	v44 =	vld [tilespmem:s2+$0x2000];
	v28 =	vmax.f32 v41, v28;
	v20 =	vmax.f32 v25, v20  }
0xeb: {  	v45 =	vld [tilespmem:s2+$0x2080];
	v16 =	vmax.f32 v24, v16;
	v46 =	vmax.f32 v34, v30;
	v26 =	vmax.f32 v38, v26  }
0xec: {  	v47 =	vld [tilespmem:s2+$0x2800];
	v22 =	vmax.f32 v27, v22;
	v32 =	vmax.f32 v36, v32;
	v28 =	vmax.f32 v28, v33  }
0xed: {  	v49 =	vld [tilespmem:s2+$0x2880];
	v15 =	vmax.f32 v22, v15;
	v13 =	vmax.f32 v20, v13;
	v7 =	vmax.f32 v16, v7  }
0xee: {  	v50 =	vld [tilespmem:s2+$0x3080];
	v52 =	vmax.f32 v46, v23;
	v17 =	vmax.f32 v26, v17;
	v31 =	vmax.f32 v31, v35  }
0xef: {  	v53 =	vld [tilespmem:s2+$0x3880];
	v4 =	vmax.f32 v7, v4;
	v12 =	vmax.f32 v17, v12;
	v8 =	vmax.f32 v15, v8  }
0xf0: {  	v55 =	vld [tilespmem:s2+$0x3900];
	v5 =	vmax.f32 v13, v5;
	v29 =	vmax.f32 v32, v29;
	v48 =	vmax.f32 v31, v63  }
0xf1: {  	v56 =	vld [tilespmem:s2+$0x3980];
	v14 =	vmax.f32 v52, v14;
	v54 =	vmax.f32 v29, v44;
	v24 =	vmax.f32 v48, v45  }
0xf2: {  	v59 =	vld [tilespmem:s2+$0x3A00];
	v51 =	vmax.f32 v28, v43;
	v57 =	vmax.f32 v54, v47;
	v58 =	vmax.f32 v24, v49  }
0xf3: {  	v60 =	vld [tilespmem:s2+$0x3A80];
	v18 =	vmax.f32 v51, v18;
	v15 =	vmax.f32 v57, v19;
	v16 =	vmax.f32 v58, v50  }
0xf4: {  	v62 =	vld [tilespmem:s2+$0x3B00];
	v10 =	vmax.f32 v18, v10;
	v11 =	vmax.f32 v15, v11;
	v61 =	vmax.f32 v16, v53  }
0xf5: {  	v6 =	vmax.f32 v14, v6;
	v63 =	vld [tilespmem:s2+$0x3B80];
	v7 =	vmax.f32 v10, v55;
	v11 =	vmax.f32 v11, v61  }
0xf6: {  	v3 =	vmax.f32 v12, v3;
	v6 =	vmax.f32 v6, v56;
	v7 =	vmax.f32 v11, v7  }
0xf7: {  	v2 =	vmax.f32 v8, v2;
	v3 =	vmax.f32 v3, v59;
	v6 =	vmax.f32 v7, v6  }
0xf8: {  	v0 =	vmax.f32 v5, v0;
	v2 =	vmax.f32 v2, v60;
	v3 =	vmax.f32 v6, v3  }
0xf9: {  	v1 =	vmax.f32 v4, v1;
	v0 =	vmax.f32 v0, v62;
	v2 =	vmax.f32 v3, v2  }
0xfa: {  	v1 =	vmax.f32 v1, v63;
	v0 =	vmax.f32 v2, v0  }
0xfb: {  	v0 =	vmax.f32 v0, v1  }
0xfc: {  	vm0 =	vgt.f32 v0, v21  }
0xfd: {  	s26 =	sadd.s32 $0x10, s4;
	s3 =	sshll.u32 s1, $0x5;
	s29 =	simm.s32 $0x0;
	v0 =	vsel vm0, $0x1, v9  }
0xfe: {  	s30 =	simm.s32 $0x4000;
	s31 =	simm.s32 $0x1;
	s28 =	sadd.s32 s5, s3;
	[tilespmem:s26+$0x0] =	vst v0  }
0xff: {  	[hbm4b:s28+s29] =	stream.linear.scatter [tilespmem:s30], [sflag:$0x1], $0x100, $0x38;
	[tilespmem:$0x4100] =	vst v63  }
0x100: {  	_ =	swait.ge [sflag:s31], $0x100  }
0x101: {  	[sflag:s31] =	ssyncset.done $0x0  }
0x102: {  	[sflag:s31] =	ssyncadd.s32 $0xFFFFFF00  }
0x103: {  	_ =	sfence.sel $0x180000  }
0x104: {  	[bflag:$0x0] =	sbarrier.arrive $0xFFFF  }
0x105: {  	p0 =	sne.s32 s1, $0x0;
	_ =	strace $0x90000047  }
0x106: {  	s0 =	sadd.s32 @!p0 $0x100000, s0;
	[bflag:$0x2] =	sbarrier.arrive $0xFFFF  }
0x107: {  	[sflag:s0] =	ssyncadd.tile.s32 @!p0 $0x1;
	_ =	shalt  }
.Lfunc_end2:
_tile_overlayer_lowered:
.L_overlay_start_2:
0x108: {  	(tag) =	ssettag $0x2  }
0x109: {  	s0 =	rddreg [dreg:$0x0];
	s2 =	stileid.u32  }
0x10a: {  	s1 =	rddreg [dreg:$0x1];
	p0 =	sne.s32 s2, $0x0  }
0x10b: {  	s3 =	rddreg [dreg:$0x2];
	[bflag:$0x3] =	sbarrier.arrive $0xFFFF;
	s2 =	simm.s32 @!p0 $0x1C01  }
0x10c: {  	[timem:s3], [sflag:s2] =	dma.local @!p0 [hbm:s0], s1  }
0x10d: {  	s0 =	simm.s32 @!p0 $0x1  }
0x10e: {  	_ =	swait.ge @!p0 [sflag:s0], s1  }
0x10f: {  	s1 =	ssub.s32 @!p0 $0x0, s1;
	[sflag:s0] =	ssyncset.done @!p0 $0x0  }
0x110: {  	[sflag:s0] =	ssyncadd.s32 @!p0 s1  }
0x111: {  	[bflag:$0x3] =	sbarrier.arrive $0xFFFF  }
0x112: {  	_ =	shalt  }

</sc_bundles>
